<compile_context>
chip_gen: v7x
topology: tpu7x:2x2x1
jax: 0.10.2.dev20260603
libtpu: 0.0.44.dev20260713+nightly
codegen_flags: <defaults>
</compile_context>

<pallas_src>
import functools

import jax
import jax.numpy as jnp
import numpy as np
from jax import lax
from jax.experimental import pallas as pl
from jax.experimental.pallas import tpu as pltpu
from jax.experimental.pallas import tpu_sc as plsc

N = 16384
C = 16
RNA_EMBED = 128
ATOM_EMBED = 64
NUM_RNA_TYPE = 8
NUM_ATOM_TYPE = 64
NUM_ATOM_POS = 64
HIST = NUM_ATOM_TYPE + NUM_ATOM_POS
OUT_D = RNA_EMBED + ATOM_EMBED
EPS = 1e-10
BLK = 4096

NUM_SC = 2
NUM_SUBCORES = 16
NW = NUM_SC * NUM_SUBCORES
CHUNK = N // NW


def _hist_body(a_hbm, ap_hbm, hist_hbm, a_v, ap_v, hist_v):
    wid = lax.axis_index("s") * NUM_SC + lax.axis_index("c")
    base = wid * CHUNK
    pltpu.sync_copy(a_hbm.at[pl.ds(base * C, CHUNK * C)], a_v)
    pltpu.sync_copy(ap_hbm.at[pl.ds(base * C, CHUNK * C)], ap_v)

    def row(n, _):
        a_vec = a_v[pl.ds(n * C, 16)]
        ap_vec = ap_v[pl.ds(n * C, 16)]
        m = jnp.where(ap_vec != 0, 1.0, 0.0).astype(jnp.float32)
        for k in range(HIST // 16):
            hist_v[pl.ds(n * HIST + 16 * k, 16)] = jnp.zeros((16,), jnp.float32)
        flat_base = jnp.full((16,), n * HIST, jnp.int32)
        plsc.addupdate_scatter(hist_v, [flat_base + a_vec], m)
        plsc.addupdate_scatter(
            hist_v, [flat_base + (ap_vec + NUM_ATOM_TYPE)], m)
        return 0

    lax.fori_loop(0, CHUNK, row, 0)
    pltpu.sync_copy(hist_v, hist_hbm.at[pl.ds(base * HIST, CHUNK * HIST)])


_hist_kernel = functools.partial(
    pl.kernel,
    mesh=plsc.VectorSubcoreMesh(core_axis_name="c", subcore_axis_name="s"),
    out_type=jax.ShapeDtypeStruct((N * HIST,), jnp.float32),
    compiler_params=pltpu.CompilerParams(needs_layout_passes=False),
    scratch_types=[
        pltpu.VMEM((CHUNK * C,), jnp.int32),
        pltpu.VMEM((CHUNK * C,), jnp.int32),
        pltpu.VMEM((CHUNK * HIST,), jnp.float32),
    ],
)(_hist_body)


_INV_2PI = 0.15915494309189535
_C_HI = 6.2831853
_C_LO = float(2.0 * np.pi - 6.2831853)
_S1 = 9.9999970687e-01
_S3 = -1.6666577176e-01
_S5 = 8.3325578492e-03
_S7 = -1.9812568137e-04
_S9 = 2.7040424852e-06
_S11 = -2.0533874769e-08


def _fast_sin(ang):
    k = jnp.floor(ang * _INV_2PI + 0.5)
    r = ang - k * _C_HI
    r = r - k * _C_LO
    y = r * r
    p = _S11
    for c in (_S9, _S7, _S5, _S3, _S1):
        p = p * y + c
    return p * r


def _assemble_body(s_ref, rp_ref, sm_ref, hist_ref,
                   rna_t_ref, mod_t_ref, combo_ref, fp_ref, out_ref):
    b = BLK
    s = s_ref[0, 0, :]
    sm = sm_ref[0, 0, :]
    pos = rp_ref[0, 0, :].astype(jnp.float32)

    iota8 = lax.broadcasted_iota(jnp.int32, (b, NUM_RNA_TYPE), 1)
    oh_s = (s[:, None] == iota8).astype(jnp.float32)
    rna = jnp.dot(oh_s, rna_t_ref[...], preferred_element_type=jnp.float32)
    iota3 = lax.broadcasted_iota(jnp.int32, (b, 3), 1)
    oh_m = (sm[:, None] == iota3).astype(jnp.float32)
    rna = rna + jnp.dot(oh_m, mod_t_ref[...], preferred_element_type=jnp.float32)
    ang = pos[:, None] * fp_ref[0:1, :] + fp_ref[1:2, :]
    rna = rna + _fast_sin(ang)

    pooled = jnp.dot(hist_ref[...], combo_ref[...],
                     preferred_element_type=jnp.float32)
    denom = pooled[:, ATOM_EMBED:ATOM_EMBED + 1]
    out_ref[:, 0:RNA_EMBED] = rna
    out_ref[:, RNA_EMBED:OUT_D] = (
        pooled[:, 0:ATOM_EMBED] * (1.0 / (denom + EPS)))


@jax.jit
def _run(S, RP, A, AP, SM, rna_table, atom_table, atom_pos_table, mod_table):
    hist = _hist_kernel(A.astype(jnp.int32).reshape(N * C),
                        AP.astype(jnp.int32).reshape(N * C)).reshape(N, HIST)

    combo = jnp.zeros((HIST, 128), jnp.float32)
    combo = combo.at[0:NUM_ATOM_TYPE, 0:ATOM_EMBED].set(atom_table)
    combo = combo.at[NUM_ATOM_TYPE:HIST, 0:ATOM_EMBED].set(atom_pos_table)
    combo = combo.at[0:NUM_ATOM_TYPE, ATOM_EMBED].set(1.0)

    d = np.arange(RNA_EMBED)
    freq_np = np.power(10000.0, -2.0 * (d // 2) / RNA_EMBED)
    phase_np = np.where(d % 2 == 0, 0.0, np.pi / 2)
    fp = jnp.asarray(np.stack([freq_np, phase_np]), jnp.float32)

    nb = N // BLK
    s3 = S.reshape(nb, 1, BLK).astype(jnp.int32)
    rp3 = RP.reshape(nb, 1, BLK).astype(jnp.int32)
    sm3 = SM.reshape(nb, 1, BLK).astype(jnp.int32)
    vec_spec = pl.BlockSpec((1, 1, BLK), lambda i: (i, 0, 0))

    return pl.pallas_call(
        _assemble_body,
        grid=(nb,),
        in_specs=[
            vec_spec, vec_spec, vec_spec,
            pl.BlockSpec((BLK, HIST), lambda i: (i, 0)),
            pl.BlockSpec((NUM_RNA_TYPE, RNA_EMBED), lambda i: (0, 0)),
            pl.BlockSpec((3, RNA_EMBED), lambda i: (0, 0)),
            pl.BlockSpec((HIST, 128), lambda i: (0, 0)),
            pl.BlockSpec((2, RNA_EMBED), lambda i: (0, 0)),
        ],
        out_specs=pl.BlockSpec((BLK, OUT_D), lambda i: (i, 0)),
        out_shape=jax.ShapeDtypeStruct((N, OUT_D), jnp.float32),
    )(s3, rp3, sm3, hist, rna_table, mod_table, combo, fp)


def kernel(S, RP, A, AP, SM, rna_table, atom_table, atom_pos_table, mod_table):
    return _run(S, RP, A, AP, SM, rna_table, atom_table,
                atom_pos_table, mod_table)

# --- scband reference (transcript-rebuilt; emitter-appended) ---
"""Pipeline reference for scband-nucleic-acid-embedding-29703993819766 (READ-ONLY COPY).

The authoritative reference and input builder live on the scoring server;
editing this copy changes nothing except your own understanding.
"""

import jax, jax.numpy as jnp
import numpy as np

RNA_EMBED = 128
ATOM_EMBED = 64
NUM_RNA_TYPE = 8
NUM_ATOM_TYPE = 64
NUM_ATOM_POS = 64
ATOM_PAD_ID = 0
EPS = 1e-10


def sinusoidal_position_embedding(position_ids, output_dim):
    pos = position_ids[None].astype(jnp.float32)  # [1, N]
    indices = jnp.arange(output_dim // 2, dtype=jnp.float32)
    indices = jnp.power(10000.0, -2.0 * indices / output_dim)
    emb = jnp.einsum('bn,d->bnd', pos, indices)  # [1, N, D/2]
    emb = jnp.stack([jnp.sin(emb), jnp.cos(emb)], axis=-1)  # [1, N, D/2, 2]
    return emb.reshape(-1, output_dim)  # [N, D]


def setup_inputs(seed: int = 0) -> dict:
    key = jax.random.key(seed)
    ks = jax.random.split(key, 9)
    N = 16384
    C = 16
    S = jax.random.randint(ks[0], (N,), 0, NUM_RNA_TYPE, dtype=jnp.int64 if jax.config.jax_enable_x64 else jnp.int32)
    RP = jax.random.randint(ks[1], (N,), 0, 1024)
    A = jax.random.randint(ks[2], (N, C), 0, NUM_ATOM_TYPE)
    AP = jax.random.randint(ks[3], (N, C), 0, NUM_ATOM_POS)
    SM = jax.random.randint(ks[4], (N,), 0, 3)
    rna_table = jax.random.normal(ks[5], (NUM_RNA_TYPE, RNA_EMBED), dtype=jnp.float32)
    atom_table = jax.random.normal(ks[6], (NUM_ATOM_TYPE, ATOM_EMBED), dtype=jnp.float32)
    atom_pos_table = jax.random.normal(ks[7], (NUM_ATOM_POS, ATOM_EMBED), dtype=jnp.float32)
    mod_table = jax.random.normal(ks[8], (3, RNA_EMBED), dtype=jnp.float32)
    return {"S": S, "RP": RP, "A": A, "AP": AP, "SM": SM,
            "rna_table": rna_table, "atom_table": atom_table,
            "atom_pos_table": atom_pos_table, "mod_table": mod_table}


def reference(S, RP, A, AP, SM, rna_table, atom_table, atom_pos_table, mod_table):
    # rna embedding + sinusoidal position embedding + modification (acid mode) embedding
    rna_embed = jnp.take(rna_table, S, axis=0) \
        + sinusoidal_position_embedding(RP, RNA_EMBED) \
        + jnp.take(mod_table, SM, axis=0)                      # [N, rna_embed]
    atom_embed = jnp.take(atom_table, A, axis=0) \
        + jnp.take(atom_pos_table, AP, axis=0)                 # [N, C, atom_embed]
    atom_not_pad = (AP != ATOM_PAD_ID)                         # [N, C]
    denom = jnp.sum(atom_not_pad, axis=-1, keepdims=True).astype(jnp.float32) + EPS
    atom_embed = jnp.sum(atom_embed * atom_not_pad[..., None].astype(jnp.float32), axis=1) / denom
    return jnp.concatenate([rna_embed, atom_embed], axis=-1)   # [N, rna_embed + atom_embed]

if __name__ == "__main__":
    import jax
    _d = setup_inputs()
    print(jax.jit(kernel)(*tuple(_d.values())))

</pallas_src>

<mosaic_0001>
#map = affine_map<(d0, d1) -> (0)>
module attributes {stable_mosaic.version = 14 : i64} {
  func.func @_hist_body(%arg0: i32, %arg1: i32, %arg2: memref<262144xi32, #tpu.memory_space<hbm>>, %arg3: memref<262144xi32, #tpu.memory_space<hbm>>, %arg4: memref<2097152xf32, #tpu.memory_space<hbm>>, %arg5: memref<8192xi32, #tpu.memory_space<vmem>>, %arg6: memref<8192xi32, #tpu.memory_space<vmem>>, %arg7: memref<65536xf32, #tpu.memory_space<vmem>>) attributes {dimension_semantics = [#tpu.dimension_semantics<core_parallel>, #tpu.dimension_semantics<subcore_parallel>], iteration_bounds = array<i64: 2, 16>, scalar_prefetch = 0 : i64, scratch_operands = 3 : i64, tpu.core_type = #tpu.core_type<sc_vector_subcore>, window_params = [{transform_indices = #map}, {transform_indices = #map}, {transform_indices = #map}]} {
    %mul3A = arith.constant 2 : i32
    %mul3A_0 = arith.muli %arg1, %mul3A : i32
    %add3A = arith.addi %mul3A_0, %arg0 : i32
    %mul3A_1 = arith.constant 512 : i32
    %mul3A_2 = arith.muli %add3A, %mul3A_1 : i32
    %mul3A_3 = arith.constant 16 : i32
    %mul3A_4 = arith.muli %mul3A_2, %mul3A_3 : i32
    "tpu.region"() ({
      %run_scoped3A = tpu.sem_alloc : memref<!tpu.dma_semaphore, #tpu.memory_space<semaphore_mem>>
      %dma_start3A = tpu.memref_slice %arg2[%mul3A_4] : memref<262144xi32, #tpu.memory_space<hbm>> -> memref<8192xi32, #tpu.memory_space<hbm>>
      %dma_start3A_15 = tpu.memref_slice %arg2[%mul3A_4] : memref<262144xi32, #tpu.memory_space<hbm>> -> memref<8192xi32, #tpu.memory_space<hbm>>
      tpu.enqueue_dma source(%dma_start3A_15 : memref<8192xi32, #tpu.memory_space<hbm>>) target(%arg5 : memref<8192xi32, #tpu.memory_space<vmem>>) target_semaphore(%run_scoped3A : memref<!tpu.dma_semaphore, #tpu.memory_space<semaphore_mem>>)
      %dma_wait3A = tpu.memref_slice %arg2[%mul3A_4] : memref<262144xi32, #tpu.memory_space<hbm>> -> memref<8192xi32, #tpu.memory_space<hbm>>
      %dma_wait3A_16 = tpu.memref_slice %arg2[%mul3A_4] : memref<262144xi32, #tpu.memory_space<hbm>> -> memref<8192xi32, #tpu.memory_space<hbm>>
      tpu.wait_dma2 semaphore(%run_scoped3A : memref<!tpu.dma_semaphore, #tpu.memory_space<semaphore_mem>>) src(%dma_wait3A_16 : memref<8192xi32, #tpu.memory_space<hbm>>) dst(%arg5 : memref<8192xi32, #tpu.memory_space<vmem>>)
      tpu.yield
    }) : () -> ()
    %mul3A_5 = arith.constant 16 : i32
    %mul3A_6 = arith.muli %mul3A_2, %mul3A_5 : i32
    "tpu.region"() ({
      %run_scoped3A = tpu.sem_alloc : memref<!tpu.dma_semaphore, #tpu.memory_space<semaphore_mem>>
      %dma_start3A = tpu.memref_slice %arg3[%mul3A_6] : memref<262144xi32, #tpu.memory_space<hbm>> -> memref<8192xi32, #tpu.memory_space<hbm>>
      %dma_start3A_15 = tpu.memref_slice %arg3[%mul3A_6] : memref<262144xi32, #tpu.memory_space<hbm>> -> memref<8192xi32, #tpu.memory_space<hbm>>
      tpu.enqueue_dma source(%dma_start3A_15 : memref<8192xi32, #tpu.memory_space<hbm>>) target(%arg6 : memref<8192xi32, #tpu.memory_space<vmem>>) target_semaphore(%run_scoped3A : memref<!tpu.dma_semaphore, #tpu.memory_space<semaphore_mem>>)
      %dma_wait3A = tpu.memref_slice %arg3[%mul3A_6] : memref<262144xi32, #tpu.memory_space<hbm>> -> memref<8192xi32, #tpu.memory_space<hbm>>
      %dma_wait3A_16 = tpu.memref_slice %arg3[%mul3A_6] : memref<262144xi32, #tpu.memory_space<hbm>> -> memref<8192xi32, #tpu.memory_space<hbm>>
      tpu.wait_dma2 semaphore(%run_scoped3A : memref<!tpu.dma_semaphore, #tpu.memory_space<semaphore_mem>>) src(%dma_wait3A_16 : memref<8192xi32, #tpu.memory_space<hbm>>) dst(%arg6 : memref<8192xi32, #tpu.memory_space<vmem>>)
      tpu.yield
    }) : () -> ()
    %scan3A = arith.constant 0 : i32
    %scan3A_7 = arith.constant 0 : i32
    %scan3A_8 = arith.constant 512 : i32
    %scan3A_9 = arith.addi %scan3A_7, %scan3A_8 : i32
    %scan3A_10 = arith.constant 1 : i32
    %scan3A_11 = scf.for %scan3A_15 = %scan3A_7 to %scan3A_9 step %scan3A_10 iter_args(%scan3A_16 = %scan3A) -> (i32)  : i32 {
      %mul3A_17 = arith.constant 16 : i32
      %mul3A_18 = arith.muli %scan3A_15, %mul3A_17 : i32
      %get3A = arith.index_cast %mul3A_18 : i32 to index
      %get3A_19 = tpu.vector_load %arg5[%get3A] {strides = array<i32>} : memref<8192xi32, #tpu.memory_space<vmem>>, vector<16xi32>,
      %mul3A_20 = arith.constant 16 : i32
      %mul3A_21 = arith.muli %scan3A_15, %mul3A_20 : i32
      %get3A_22 = arith.index_cast %mul3A_21 : i32 to index
      %get3A_23 = tpu.vector_load %arg6[%get3A_22] {strides = array<i32>} : memref<8192xi32, #tpu.memory_space<vmem>>, vector<16xi32>,
      %ne3A = arith.constant 0 : i32
      %ne3A_24 = vector.broadcast %ne3A : i32 to vector<16xi32>
      %ne3A_25 = arith.cmpi ne, %get3A_23, %ne3A_24 : vector<16xi32>
      %jit3A = arith.constant 1.000000e+00 : f32
      %jit3A_26 = arith.constant 0.000000e+00 : f32
      %broadcast_in_dim3A = vector.broadcast %jit3A : f32 to vector<16xf32>
      %broadcast_in_dim3A_27 = vector.broadcast %jit3A_26 : f32 to vector<16xf32>
      %select_n3A = arith.select %ne3A_25, %broadcast_in_dim3A, %broadcast_in_dim3A_27 : vector<16xi1>, vector<16xf32>
      %broadcast_in_dim3A_28 = arith.constant 0.000000e+00 : f32
      %broadcast_in_dim3A_29 = vector.broadcast %broadcast_in_dim3A_28 : f32 to vector<16xf32>
      %mul3A_30 = arith.constant 128 : i32
      %mul3A_31 = arith.muli %scan3A_15, %mul3A_30 : i32
      %add3A_32 = arith.constant 0 : i32
      %add3A_33 = arith.addi %mul3A_31, %add3A_32 : i32
      %swap3A = arith.index_cast %add3A_33 : i32 to index
      %swap3A_34 = tpu.vector_load %arg7[%swap3A] {strides = array<i32>} : memref<65536xf32, #tpu.memory_space<vmem>>, vector<16xf32>,
      tpu.vector_store %arg7[%swap3A], %broadcast_in_dim3A_29 {strides = array<i32>} : memref<65536xf32, #tpu.memory_space<vmem>>, vector<16xf32>,
      %broadcast_in_dim3A_35 = arith.constant 0.000000e+00 : f32
      %broadcast_in_dim3A_36 = vector.broadcast %broadcast_in_dim3A_35 : f32 to vector<16xf32>
      %mul3A_37 = arith.constant 128 : i32
      %mul3A_38 = arith.muli %scan3A_15, %mul3A_37 : i32
      %add3A_39 = arith.constant 16 : i32
      %add3A_40 = arith.addi %mul3A_38, %add3A_39 : i32
      %swap3A_41 = arith.index_cast %add3A_40 : i32 to index
      %swap3A_42 = tpu.vector_load %arg7[%swap3A_41] {strides = array<i32>} : memref<65536xf32, #tpu.memory_space<vmem>>, vector<16xf32>,
      tpu.vector_store %arg7[%swap3A_41], %broadcast_in_dim3A_36 {strides = array<i32>} : memref<65536xf32, #tpu.memory_space<vmem>>, vector<16xf32>,
      %broadcast_in_dim3A_43 = arith.constant 0.000000e+00 : f32
      %broadcast_in_dim3A_44 = vector.broadcast %broadcast_in_dim3A_43 : f32 to vector<16xf32>
      %mul3A_45 = arith.constant 128 : i32
      %mul3A_46 = arith.muli %scan3A_15, %mul3A_45 : i32
      %add3A_47 = arith.constant 32 : i32
      %add3A_48 = arith.addi %mul3A_46, %add3A_47 : i32
      %swap3A_49 = arith.index_cast %add3A_48 : i32 to index
      %swap3A_50 = tpu.vector_load %arg7[%swap3A_49] {strides = array<i32>} : memref<65536xf32, #tpu.memory_space<vmem>>, vector<16xf32>,
      tpu.vector_store %arg7[%swap3A_49], %broadcast_in_dim3A_44 {strides = array<i32>} : memref<65536xf32, #tpu.memory_space<vmem>>, vector<16xf32>,
      %broadcast_in_dim3A_51 = arith.constant 0.000000e+00 : f32
      %broadcast_in_dim3A_52 = vector.broadcast %broadcast_in_dim3A_51 : f32 to vector<16xf32>
      %mul3A_53 = arith.constant 128 : i32
      %mul3A_54 = arith.muli %scan3A_15, %mul3A_53 : i32
      %add3A_55 = arith.constant 48 : i32
      %add3A_56 = arith.addi %mul3A_54, %add3A_55 : i32
      %swap3A_57 = arith.index_cast %add3A_56 : i32 to index
      %swap3A_58 = tpu.vector_load %arg7[%swap3A_57] {strides = array<i32>} : memref<65536xf32, #tpu.memory_space<vmem>>, vector<16xf32>,
      tpu.vector_store %arg7[%swap3A_57], %broadcast_in_dim3A_52 {strides = array<i32>} : memref<65536xf32, #tpu.memory_space<vmem>>, vector<16xf32>,
      %broadcast_in_dim3A_59 = arith.constant 0.000000e+00 : f32
      %broadcast_in_dim3A_60 = vector.broadcast %broadcast_in_dim3A_59 : f32 to vector<16xf32>
      %mul3A_61 = arith.constant 128 : i32
      %mul3A_62 = arith.muli %scan3A_15, %mul3A_61 : i32
      %add3A_63 = arith.constant 64 : i32
      %add3A_64 = arith.addi %mul3A_62, %add3A_63 : i32
      %swap3A_65 = arith.index_cast %add3A_64 : i32 to index
      %swap3A_66 = tpu.vector_load %arg7[%swap3A_65] {strides = array<i32>} : memref<65536xf32, #tpu.memory_space<vmem>>, vector<16xf32>,
      tpu.vector_store %arg7[%swap3A_65], %broadcast_in_dim3A_60 {strides = array<i32>} : memref<65536xf32, #tpu.memory_space<vmem>>, vector<16xf32>,
      %broadcast_in_dim3A_67 = arith.constant 0.000000e+00 : f32
      %broadcast_in_dim3A_68 = vector.broadcast %broadcast_in_dim3A_67 : f32 to vector<16xf32>
      %mul3A_69 = arith.constant 128 : i32
      %mul3A_70 = arith.muli %scan3A_15, %mul3A_69 : i32
      %add3A_71 = arith.constant 80 : i32
      %add3A_72 = arith.addi %mul3A_70, %add3A_71 : i32
      %swap3A_73 = arith.index_cast %add3A_72 : i32 to index
      %swap3A_74 = tpu.vector_load %arg7[%swap3A_73] {strides = array<i32>} : memref<65536xf32, #tpu.memory_space<vmem>>, vector<16xf32>,
      tpu.vector_store %arg7[%swap3A_73], %broadcast_in_dim3A_68 {strides = array<i32>} : memref<65536xf32, #tpu.memory_space<vmem>>, vector<16xf32>,
      %broadcast_in_dim3A_75 = arith.constant 0.000000e+00 : f32
      %broadcast_in_dim3A_76 = vector.broadcast %broadcast_in_dim3A_75 : f32 to vector<16xf32>
      %mul3A_77 = arith.constant 128 : i32
      %mul3A_78 = arith.muli %scan3A_15, %mul3A_77 : i32
      %add3A_79 = arith.constant 96 : i32
      %add3A_80 = arith.addi %mul3A_78, %add3A_79 : i32
      %swap3A_81 = arith.index_cast %add3A_80 : i32 to index
      %swap3A_82 = tpu.vector_load %arg7[%swap3A_81] {strides = array<i32>} : memref<65536xf32, #tpu.memory_space<vmem>>, vector<16xf32>,
      tpu.vector_store %arg7[%swap3A_81], %broadcast_in_dim3A_76 {strides = array<i32>} : memref<65536xf32, #tpu.memory_space<vmem>>, vector<16xf32>,
      %broadcast_in_dim3A_83 = arith.constant 0.000000e+00 : f32
      %broadcast_in_dim3A_84 = vector.broadcast %broadcast_in_dim3A_83 : f32 to vector<16xf32>
      %mul3A_85 = arith.constant 128 : i32
      %mul3A_86 = arith.muli %scan3A_15, %mul3A_85 : i32
      %add3A_87 = arith.constant 112 : i32
      %add3A_88 = arith.addi %mul3A_86, %add3A_87 : i32
      %swap3A_89 = arith.index_cast %add3A_88 : i32 to index
      %swap3A_90 = tpu.vector_load %arg7[%swap3A_89] {strides = array<i32>} : memref<65536xf32, #tpu.memory_space<vmem>>, vector<16xf32>,
      tpu.vector_store %arg7[%swap3A_89], %broadcast_in_dim3A_84 {strides = array<i32>} : memref<65536xf32, #tpu.memory_space<vmem>>, vector<16xf32>,
      %mul3A_91 = arith.constant 128 : i32
      %mul3A_92 = arith.muli %scan3A_15, %mul3A_91 : i32
      %broadcast_in_dim3A_93 = vector.broadcast %mul3A_92 : i32 to vector<16xi32>
      %add3A_94 = arith.addi %broadcast_in_dim3A_93, %get3A_19 : vector<16xi32>
      tpu.vector_store_idx %arg7[%add3A_94], %select_n3A {add = true} : memref<65536xf32, #tpu.memory_space<vmem>>[vector<16xi32>], vector<16xf32>,
      %add3A_95 = arith.constant 64 : i32
      %add3A_96 = vector.broadcast %add3A_95 : i32 to vector<16xi32>
      %add3A_97 = arith.addi %get3A_23, %add3A_96 : vector<16xi32>
      %add3A_98 = arith.addi %broadcast_in_dim3A_93, %add3A_97 : vector<16xi32>
      tpu.vector_store_idx %arg7[%add3A_98], %select_n3A {add = true} : memref<65536xf32, #tpu.memory_space<vmem>>[vector<16xi32>], vector<16xf32>,
      %scan3A_99 = arith.constant 0 : i32
      scf.yield %scan3A_99 : i32
    }
    %scan3A_12 = arith.constant 512 : i32
    %mul3A_13 = arith.constant 128 : i32
    %mul3A_14 = arith.muli %mul3A_2, %mul3A_13 : i32
    "tpu.region"() ({
      %run_scoped3A = tpu.sem_alloc : memref<!tpu.dma_semaphore, #tpu.memory_space<semaphore_mem>>
      %dma_start3A = tpu.memref_slice %arg4[%mul3A_14] : memref<2097152xf32, #tpu.memory_space<hbm>> -> memref<65536xf32, #tpu.memory_space<hbm>>
      %dma_start3A_15 = tpu.memref_slice %arg4[%mul3A_14] : memref<2097152xf32, #tpu.memory_space<hbm>> -> memref<65536xf32, #tpu.memory_space<hbm>>
      tpu.enqueue_dma source(%arg7 : memref<65536xf32, #tpu.memory_space<vmem>>) target(%dma_start3A_15 : memref<65536xf32, #tpu.memory_space<hbm>>) target_semaphore(%run_scoped3A : memref<!tpu.dma_semaphore, #tpu.memory_space<semaphore_mem>>)
      %dma_wait3A = tpu.memref_slice %arg4[%mul3A_14] : memref<2097152xf32, #tpu.memory_space<hbm>> -> memref<65536xf32, #tpu.memory_space<hbm>>
      %dma_wait3A_16 = tpu.memref_slice %arg4[%mul3A_14] : memref<2097152xf32, #tpu.memory_space<hbm>> -> memref<65536xf32, #tpu.memory_space<hbm>>
      tpu.wait_dma2 semaphore(%run_scoped3A : memref<!tpu.dma_semaphore, #tpu.memory_space<semaphore_mem>>) src(%arg7 : memref<65536xf32, #tpu.memory_space<vmem>>) dst(%dma_wait3A_16 : memref<65536xf32, #tpu.memory_space<hbm>>)
      tpu.yield
    }) : () -> ()
    return
  }
}

module attributes {stable_mosaic.version = 14 : i64} {
  func.func @_assemble_body(%arg0: i32, %arg1: memref<1x1x4096xi32, #tpu.memory_space<vmem>>, %arg2: memref<1x1x4096xi32, #tpu.memory_space<vmem>>, %arg3: memref<1x1x4096xi32, #tpu.memory_space<vmem>>, %arg4: memref<4096x128xf32, #tpu.memory_space<vmem>>, %arg5: memref<8x128xf32, #tpu.memory_space<vmem>>, %arg6: memref<3x128xf32, #tpu.memory_space<vmem>>, %arg7: memref<128x128xf32, #tpu.memory_space<vmem>>, %arg8: memref<2x128xf32, #tpu.memory_space<vmem>>, %arg9: memref<4096x192xf32, #tpu.memory_space<vmem>>) attributes {dimension_semantics = [#tpu.dimension_semantics<arbitrary>], iteration_bounds = array<i64: 4>, scalar_prefetch = 0 : i64, scratch_operands = 0 : i64, tpu.core_type = #tpu.core_type<tc>, window_params = [{transform_indices = @transform_0, window_bounds = array<i64: 1, 1, 4096>}, {transform_indices = @transform_1, window_bounds = array<i64: 1, 1, 4096>}, {transform_indices = @transform_2, window_bounds = array<i64: 1, 1, 4096>}, {transform_indices = @transform_3, window_bounds = array<i64: 4096, 128>}, {pipeline_mode = #tpu.pipeline_mode<synchronous>, transform_indices = @transform_4, window_bounds = array<i64: 8, 128>}, {pipeline_mode = #tpu.pipeline_mode<synchronous>, transform_indices = @transform_5, window_bounds = array<i64: 3, 128>}, {pipeline_mode = #tpu.pipeline_mode<synchronous>, transform_indices = @transform_6, window_bounds = array<i64: 128, 128>}, {pipeline_mode = #tpu.pipeline_mode<synchronous>, transform_indices = @transform_7, window_bounds = array<i64: 2, 128>}, {transform_indices = @transform_8, window_bounds = array<i64: 4096, 192>}]} {
    %get3A = arith.constant 0 : index
    %get3A_0 = arith.constant 0 : index
    %get3A_1 = arith.constant 0 : index
    %get3A_2 = vector.load %arg1[%get3A, %get3A_0, %get3A_1] : memref<1x1x4096xi32, #tpu.memory_space<vmem>>, vector<1x1x4096xi32>
    %get3A_3 = vector.shape_cast %get3A_2 : vector<1x1x4096xi32> to vector<4096xi32>
    %get3A_4 = arith.constant 0 : index
    %get3A_5 = arith.constant 0 : index
    %get3A_6 = arith.constant 0 : index
    %get3A_7 = vector.load %arg3[%get3A_4, %get3A_5, %get3A_6] : memref<1x1x4096xi32, #tpu.memory_space<vmem>>, vector<1x1x4096xi32>
    %get3A_8 = vector.shape_cast %get3A_7 : vector<1x1x4096xi32> to vector<4096xi32>
    %get3A_9 = arith.constant 0 : index
    %get3A_10 = arith.constant 0 : index
    %get3A_11 = arith.constant 0 : index
    %get3A_12 = vector.load %arg2[%get3A_9, %get3A_10, %get3A_11] : memref<1x1x4096xi32, #tpu.memory_space<vmem>>, vector<1x1x4096xi32>
    %get3A_13 = vector.shape_cast %get3A_12 : vector<1x1x4096xi32> to vector<4096xi32>
    %convert_element_type3A = arith.sitofp %get3A_13 : vector<4096xi32> to vector<4096xf32>
    %iota3A = tpu.iota {dimensions = array<i32: 1>} : vector<4096x8xi32>
    %broadcast_in_dim3A = vector.shape_cast %get3A_3 : vector<4096xi32> to vector<4096x1xi32>
    %eq3A = vector.broadcast %broadcast_in_dim3A : vector<4096x1xi32> to vector<4096x8xi32>
    %eq3A_14 = arith.cmpi eq, %eq3A, %iota3A : vector<4096x8xi32>
    %convert_element_type3A_15 = arith.extui %eq3A_14 : vector<4096x8xi1> to vector<4096x8xi32>
    %convert_element_type3A_16 = arith.sitofp %convert_element_type3A_15 : vector<4096x8xi32> to vector<4096x8xf32>
    %get3A_17 = arith.constant 0 : index
    %get3A_18 = arith.constant 0 : index
    %get3A_19 = vector.load %arg5[%get3A_17, %get3A_18] : memref<8x128xf32, #tpu.memory_space<vmem>>, vector<8x128xf32>
    %dot_general3A = arith.constant dense<0.000000e+00> : vector<4096x128xf32>
    %dot_general3A_20 = tpu.matmul %convert_element_type3A_16, %get3A_19, %dot_general3A {dimension_numbers = #tpu.dot_dimension_numbers<[1], [0], [0], [1], [0, 0, 1, 1], [], []>, transpose_lhs_hint = false} : vector<4096x8xf32>, vector<8x128xf32>, vector<4096x128xf32> -> vector<4096x128xf32>
    %iota3A_21 = tpu.iota {dimensions = array<i32: 1>} : vector<4096x3xi32>
    %broadcast_in_dim3A_22 = vector.shape_cast %get3A_8 : vector<4096xi32> to vector<4096x1xi32>
    %eq3A_23 = vector.broadcast %broadcast_in_dim3A_22 : vector<4096x1xi32> to vector<4096x3xi32>
    %eq3A_24 = arith.cmpi eq, %eq3A_23, %iota3A_21 : vector<4096x3xi32>
    %convert_element_type3A_25 = arith.extui %eq3A_24 : vector<4096x3xi1> to vector<4096x3xi32>
    %convert_element_type3A_26 = arith.sitofp %convert_element_type3A_25 : vector<4096x3xi32> to vector<4096x3xf32>
    %get3A_27 = arith.constant 0 : index
    %get3A_28 = arith.constant 0 : index
    %get3A_29 = vector.load %arg6[%get3A_27, %get3A_28] : memref<3x128xf32, #tpu.memory_space<vmem>>, vector<3x128xf32>
    %dot_general3A_30 = arith.constant dense<0.000000e+00> : vector<4096x128xf32>
    %dot_general3A_31 = tpu.matmul %convert_element_type3A_26, %get3A_29, %dot_general3A_30 {dimension_numbers = #tpu.dot_dimension_numbers<[1], [0], [0], [1], [0, 0, 1, 1], [], []>, transpose_lhs_hint = false} : vector<4096x3xf32>, vector<3x128xf32>, vector<4096x128xf32> -> vector<4096x128xf32>
    %add3A = arith.addf %dot_general3A_20, %dot_general3A_31 : vector<4096x128xf32>
    %broadcast_in_dim3A_32 = vector.shape_cast %convert_element_type3A : vector<4096xf32> to vector<4096x1xf32>
    %get3A_33 = arith.constant 0 : index
    %get3A_34 = arith.constant 0 : index
    %get3A_35 = vector.load %arg8[%get3A_33, %get3A_34] : memref<2x128xf32, #tpu.memory_space<vmem>>, vector<1x128xf32>
    %mul3A = vector.broadcast %broadcast_in_dim3A_32 : vector<4096x1xf32> to vector<4096x128xf32>
    %mul3A_36 = vector.broadcast %get3A_35 : vector<1x128xf32> to vector<4096x128xf32>
    %mul3A_37 = arith.mulf %mul3A, %mul3A_36 : vector<4096x128xf32>
    %get3A_38 = arith.constant 1 : index
    %get3A_39 = arith.constant 0 : index
    %get3A_40 = vector.load %arg8[%get3A_38, %get3A_39] : memref<2x128xf32, #tpu.memory_space<vmem>>, vector<1x128xf32>
    %add3A_41 = vector.broadcast %get3A_40 : vector<1x128xf32> to vector<4096x128xf32>
    %add3A_42 = arith.addf %mul3A_37, %add3A_41 : vector<4096x128xf32>
    %mul3A_43 = arith.constant 0.159154937 : f32
    %mul3A_44 = vector.broadcast %mul3A_43 : f32 to vector<4096x128xf32>
    %mul3A_45 = arith.mulf %add3A_42, %mul3A_44 : vector<4096x128xf32>
    %add3A_46 = arith.constant 5.000000e-01 : f32
    %add3A_47 = vector.broadcast %add3A_46 : f32 to vector<4096x128xf32>
    %add3A_48 = arith.addf %mul3A_45, %add3A_47 : vector<4096x128xf32>
    %floor3A = math.floor %add3A_48 : vector<4096x128xf32>
    %mul3A_49 = arith.constant 6.28318548 : f32
    %mul3A_50 = vector.broadcast %mul3A_49 : f32 to vector<4096x128xf32>
    %mul3A_51 = arith.mulf %floor3A, %mul3A_50 : vector<4096x128xf32>
    %sub3A = arith.subf %add3A_42, %mul3A_51 : vector<4096x128xf32>
    %mul3A_52 = arith.constant 7.17958581E-9 : f32
    %mul3A_53 = vector.broadcast %mul3A_52 : f32 to vector<4096x128xf32>
    %mul3A_54 = arith.mulf %floor3A, %mul3A_53 : vector<4096x128xf32>
    %sub3A_55 = arith.subf %sub3A, %mul3A_54 : vector<4096x128xf32>
    %mul3A_56 = arith.mulf %sub3A_55, %sub3A_55 : vector<4096x128xf32>
    %mul3A_57 = arith.constant -2.0533875E-8 : f32
    %mul3A_58 = vector.broadcast %mul3A_57 : f32 to vector<4096x128xf32>
    %mul3A_59 = arith.mulf %mul3A_58, %mul3A_56 : vector<4096x128xf32>
    %add3A_60 = arith.constant 2.70404257E-6 : f32
    %add3A_61 = vector.broadcast %add3A_60 : f32 to vector<4096x128xf32>
    %add3A_62 = arith.addf %mul3A_59, %add3A_61 : vector<4096x128xf32>
    %mul3A_63 = arith.mulf %add3A_62, %mul3A_56 : vector<4096x128xf32>
    %add3A_64 = arith.constant -1.98125679E-4 : f32
    %add3A_65 = vector.broadcast %add3A_64 : f32 to vector<4096x128xf32>
    %add3A_66 = arith.addf %mul3A_63, %add3A_65 : vector<4096x128xf32>
    %mul3A_67 = arith.mulf %add3A_66, %mul3A_56 : vector<4096x128xf32>
    %add3A_68 = arith.constant 0.00833255798 : f32
    %add3A_69 = vector.broadcast %add3A_68 : f32 to vector<4096x128xf32>
    %add3A_70 = arith.addf %mul3A_67, %add3A_69 : vector<4096x128xf32>
    %mul3A_71 = arith.mulf %add3A_70, %mul3A_56 : vector<4096x128xf32>
    %add3A_72 = arith.constant -0.166665778 : f32
    %add3A_73 = vector.broadcast %add3A_72 : f32 to vector<4096x128xf32>
    %add3A_74 = arith.addf %mul3A_71, %add3A_73 : vector<4096x128xf32>
    %mul3A_75 = arith.mulf %add3A_74, %mul3A_56 : vector<4096x128xf32>
    %add3A_76 = arith.constant 0.999999701 : f32
    %add3A_77 = vector.broadcast %add3A_76 : f32 to vector<4096x128xf32>
    %add3A_78 = arith.addf %mul3A_75, %add3A_77 : vector<4096x128xf32>
    %mul3A_79 = arith.mulf %add3A_78, %sub3A_55 : vector<4096x128xf32>
    %add3A_80 = arith.addf %add3A, %mul3A_79 : vector<4096x128xf32>
    %get3A_81 = arith.constant 0 : index
    %get3A_82 = arith.constant 0 : index
    %get3A_83 = vector.load %arg4[%get3A_81, %get3A_82] : memref<4096x128xf32, #tpu.memory_space<vmem>>, vector<4096x128xf32>
    %get3A_84 = arith.constant 0 : index
    %get3A_85 = arith.constant 0 : index
    %get3A_86 = vector.load %arg7[%get3A_84, %get3A_85] : memref<128x128xf32, #tpu.memory_space<vmem>>, vector<128x128xf32>
    %dot_general3A_87 = arith.constant dense<0.000000e+00> : vector<4096x128xf32>
    %dot_general3A_88 = tpu.matmul %get3A_83, %get3A_86, %dot_general3A_87 {dimension_numbers = #tpu.dot_dimension_numbers<[1], [0], [0], [1], [0, 0, 1, 1], [], []>, transpose_lhs_hint = false} : vector<4096x128xf32>, vector<128x128xf32>, vector<4096x128xf32> -> vector<4096x128xf32>
    %slice3A = vector.extract_strided_slice %dot_general3A_88 {offsets = [0, 64], sizes = [4096, 1], strides = [1, 1]} : vector<4096x128xf32> to vector<4096x1xf32>
    %swap3A = arith.constant 0 : index
    %swap3A_89 = arith.constant 0 : index
    %swap3A_90 = vector.load %arg9[%swap3A, %swap3A_89] : memref<4096x192xf32, #tpu.memory_space<vmem>>, vector<4096x128xf32>
    tpu.vector_store %arg9[%swap3A, %swap3A_89], %add3A_80 {strides = array<i32>} : memref<4096x192xf32, #tpu.memory_space<vmem>>, vector<4096x128xf32>,
    %slice3A_91 = vector.extract_strided_slice %dot_general3A_88 {offsets = [0, 0], sizes = [4096, 64], strides = [1, 1]} : vector<4096x128xf32> to vector<4096x64xf32>
    %add3A_92 = arith.constant 1.000000e-10 : f32
    %add3A_93 = vector.broadcast %add3A_92 : f32 to vector<4096x1xf32>
    %add3A_94 = arith.addf %slice3A, %add3A_93 : vector<4096x1xf32>
    %div3A = arith.constant 1.000000e+00 : f32
    %div3A_95 = vector.broadcast %div3A : f32 to vector<4096x1xf32>
    %div3A_96 = arith.divf %div3A_95, %add3A_94 : vector<4096x1xf32>
    %mul3A_97 = vector.broadcast %div3A_96 : vector<4096x1xf32> to vector<4096x64xf32>
    %mul3A_98 = arith.mulf %slice3A_91, %mul3A_97 : vector<4096x64xf32>
    %swap3A_99 = arith.constant 0 : index
    %swap3A_100 = arith.constant 128 : index
    %swap3A_101 = vector.load %arg9[%swap3A_99, %swap3A_100] : memref<4096x192xf32, #tpu.memory_space<vmem>>, vector<4096x64xf32>
    tpu.vector_store %arg9[%swap3A_99, %swap3A_100], %mul3A_98 {strides = array<i32>} : memref<4096x192xf32, #tpu.memory_space<vmem>>, vector<4096x64xf32>,
    return
  }
  func.func @transform_0(%arg0: i32) -> (i32, i32, i32) {
    %c0_i32 = arith.constant 0 : i32
    %c0_i32_0 = arith.constant 0 : i32
    %c0_i32_1 = arith.constant 0 : i32
    return %arg0, %c0_i32, %c0_i32_0 : i32, i32, i32
  }
  func.func @transform_1(%arg0: i32) -> (i32, i32, i32) {
    %c0_i32 = arith.constant 0 : i32
    %c0_i32_0 = arith.constant 0 : i32
    %c0_i32_1 = arith.constant 0 : i32
    return %arg0, %c0_i32, %c0_i32_0 : i32, i32, i32
  }
  func.func @transform_2(%arg0: i32) -> (i32, i32, i32) {
    %c0_i32 = arith.constant 0 : i32
    %c0_i32_0 = arith.constant 0 : i32
    %c0_i32_1 = arith.constant 0 : i32
    return %arg0, %c0_i32, %c0_i32_0 : i32, i32, i32
  }
  func.func @transform_3(%arg0: i32) -> (i32, i32) {
    %c0_i32 = arith.constant 0 : i32
    %c0_i32_0 = arith.constant 0 : i32
    return %arg0, %c0_i32 : i32, i32
  }
  func.func @transform_4(%arg0: i32) -> (i32, i32) {
    %c0_i32 = arith.constant 0 : i32
    %c0_i32_0 = arith.constant 0 : i32
    %c0_i32_1 = arith.constant 0 : i32
    return %c0_i32, %c0_i32_0 : i32, i32
  }
  func.func @transform_5(%arg0: i32) -> (i32, i32) {
    %c0_i32 = arith.constant 0 : i32
    %c0_i32_0 = arith.constant 0 : i32
    %c0_i32_1 = arith.constant 0 : i32
    return %c0_i32, %c0_i32_0 : i32, i32
  }
  func.func @transform_6(%arg0: i32) -> (i32, i32) {
    %c0_i32 = arith.constant 0 : i32
    %c0_i32_0 = arith.constant 0 : i32
    %c0_i32_1 = arith.constant 0 : i32
    return %c0_i32, %c0_i32_0 : i32, i32
  }
  func.func @transform_7(%arg0: i32) -> (i32, i32) {
    %c0_i32 = arith.constant 0 : i32
    %c0_i32_0 = arith.constant 0 : i32
    %c0_i32_1 = arith.constant 0 : i32
    return %c0_i32, %c0_i32_0 : i32, i32
  }
  func.func @transform_8(%arg0: i32) -> (i32, i32) {
    %c0_i32 = arith.constant 0 : i32
    %c0_i32_0 = arith.constant 0 : i32
    return %arg0, %c0_i32 : i32, i32
  }
}

</mosaic_0001>

<sc_bundles>
// kernel: _run.4.cloned.1.call-start
scs
__scs_entry_jumppad:
0x0: {  	(pc) =	sbr.rel $0x88, $3  }
0x1: {  	(tag) =	ssettag $0x0;
	lr =	simm.s32 $0x1  }
0x2: {  	[smem:$0x3F98] =	sst lr;
	_ =	strace $0xD0000000  }
0x3: {  	_ = 	snop  }
0x4: {  	_ = 	snop  }
0x5: {  	_ = 	snop  }
0x6: {  	_ = 	snop  }
0x7: {  	_ = 	snop  }
__scs_overlays_trampoline_lowered:
0x8: {  	[smem:$0x3FA7] =	sst s0  }
0x9: {  	[smem:$0x3FA8] =	sst s1  }
0xa: {  	[smem:$0x3FA9] =	sst s2  }
0xb: {  	[smem:$0x3FAA] =	sst s3  }
0xc: {  	[smem:$0x3FAB] =	sst s4  }
0xd: {  	[smem:$0x3FAC] =	sst s5  }
0xe: {  	[smem:$0x3FAD] =	sst s6  }
0xf: {  	[smem:$0x3FAE] =	sst s7  }
0x10: {  	[smem:$0x3FAF] =	sst s8  }
0x11: {  	[smem:$0x3FB0] =	sst s9;
	s0 =	simm.s32 @!p0 $0x0  }
0x12: {  	s1 =	sld [smem:$0x3F96];
	s0 =	simm.s32 @p0 $0x1  }
0x13: {  	[smem:$0x3FB1] =	sst s0;
	s0 =	simm.s32 @!p1 $0x0  }
0x14: {  	s2 =	sld [smem:$0x3F95];
	s0 =	simm.s32 @p1 $0x1  }
0x15: {  	[smem:$0x3FB2] =	sst s0;
	s0 =	simm.s32 @!p2 $0x0  }
0x16: {  	s3 =	sld [smem:$0x3FDB];
	s0 =	simm.s32 @p2 $0x1  }
0x17: {  	s4 =	simm.s32 $0x1BF5;
	[smem:$0x3FB4] =	sst s0  }
0x18: {  	s0 =	sld [smem:$0x3F97];
	_ =	swait.ge [sflag:s4], $0x0  }
0x19: {  	s7 =	sld [smem:$0x3F98]  }
0x1a: {  	s8 =	sadd.s32 $0xFFFFE003, lr  }
0x1b: {  	s9 =	sadd.s32 $0xFFFFFEF7, lr;
	s5 =	simm.s32 $0xFFFFFFFF;
	p2 =	slt.u32 s8, $0xFFFFF086  }
0x1c: {  	p1 =	slt.u32 s9, $0xF7A;
	s5 =	simm.s32 @!p2 $0x0  }
0x1d: {  	s5 =	simm.s32 @p1 $0x1;
	p0 =	seq.s32 s7, s2  }
0x1e: {  	s7 =	smul.u32 @!p0 $0xF7A, s2;
	p2 =	seq.s32 @!p0 s5, $0x0  }
0x1f: {  	s9 =	smul.u32 $0xF7A, s1;
	s8 =	simm.s32 @!p0 $0x1BF5;
	p2 =	por !p2, p0  }
0x20: {  	[sflag:s8] =	ssyncset.s32 @!p0 $0xFFFFF086;
	s6 =	sadd.s32 @!p0 s3, s7;
	s7 =	simm.s32 @!p0 $0x108  }
0x21: {  	s3 =	sadd.s32 s3, s9;
	s6 =	sadd.s32 @!p0 $0x88, s6;
	s7 =	simm.s32 @p2 $0x1082  }
0x22: {  	[simem:s7], [sflag:s8] =	dma.local @!p0 [hbm:s6], $0xF7A  }
0x23: {  	s9 =	sor.u32 $0xD0000000, s2;
	s6 =	simm.s32 $0x108;
	_ =	swait.ge @!p0 [sflag:s8], $0x0  }
0x24: {  	s3 =	sadd.s32 $0x88, s3;
	s6 =	simm.s32 @!p1 $0x1082;
	[sflag:s4] =	ssyncset.s32 $0xFFFFF086  }
0x25: {  	[simem:s6], [sflag:s4] =	dma.local [hbm:s3], $0xF7A  }
0x26: {  	[smem:$0x3F98] =	sst s1;
	(tag) =	ssettag s2;
	_ =	strace s9  }
0x27: {  	s1 =	sld [smem:$0x3FA8]  }
0x28: {  	s2 =	sld [smem:$0x3FA9]  }
0x29: {  	s4 =	sld [smem:$0x3FAB]  }
0x2a: {  	p0 =	seq.s32 s5, $0x0;
	s5 =	sld [smem:$0x3FAC]  }
0x2b: {  	s6 =	sld [smem:$0x3FAD]  }
0x2c: {  	s7 =	sld [smem:$0x3FAE]  }
0x2d: {  	s3 =	simm.s32 $0x108;
	s8 =	sld [smem:$0x3FAF]  }
0x2e: {  	s3 =	simm.s32 @!p0 $0x1082;
	s9 =	sld [smem:$0x3FB0]  }
0x2f: {  	lr =	sadd.s32 s0, s3;
	s0 =	sld [smem:$0x3FA7]  }
0x30: {  	s3 =	sld [smem:$0x3FAA]  }
0x31: {  	[smem:$0x3FB3] =	sst s10  }
0x32: {  	s10 =	sld [smem:$0x3FB1];
	_ =	sdelay $0x3  }
0x33: {  	p0 =	seq.s32 s10, $0x1;
	s10 =	sld [smem:$0x3FB3];
	_ =	sdelay $0x3  }
0x34: {  	[smem:$0x3FB3] =	sst s10  }
0x35: {  	s10 =	sld [smem:$0x3FB2];
	_ =	sdelay $0x3  }
0x36: {  	p1 =	seq.s32 s10, $0x1;
	s10 =	sld [smem:$0x3FB3];
	_ =	sdelay $0x3  }
0x37: {  	[smem:$0x3FB3] =	sst s10  }
0x38: {  	s10 =	sld [smem:$0x3FB4]  }
0x39: {  	_ = 	snop;
	(pc) =	sbr.ind lr, $3  }
0x3a: {  	_ = 	snop  }
0x3b: {  	_ = 	snop  }
0x3c: {  	p2 =	seq.s32 s10, $0x1;
	s10 =	sld [smem:$0x3FB3]  }
0x3d: {  	_ =	shalt  }
0x3e: {  	_ =	shalt  }
0x3f: {  	_ =	shalt  }
0x40: {  	_ =	shalt  }
0x41: {  	_ =	shalt  }
0x42: {  	_ =	shalt  }
0x43: {  	_ =	shalt  }
0x44: {  	_ =	shalt  }
0x45: {  	_ =	shalt  }
0x46: {  	_ =	shalt  }
0x47: {  	_ =	shalt  }
0x48: {  	_ =	shalt  }
0x49: {  	_ =	shalt  }
0x4a: {  	_ =	shalt  }
0x4b: {  	_ =	shalt  }
0x4c: {  	_ =	shalt  }
0x4d: {  	_ =	shalt  }
0x4e: {  	_ =	shalt  }
0x4f: {  	_ =	shalt  }
0x50: {  	_ =	shalt  }
0x51: {  	_ =	shalt  }
0x52: {  	_ =	shalt  }
0x53: {  	_ =	shalt  }
0x54: {  	_ =	shalt  }
0x55: {  	_ =	shalt  }
0x56: {  	_ =	shalt  }
0x57: {  	_ =	shalt  }
0x58: {  	_ =	shalt  }
0x59: {  	_ =	shalt  }
0x5a: {  	_ =	shalt  }
0x5b: {  	_ =	shalt  }
0x5c: {  	_ =	shalt  }
0x5d: {  	_ =	shalt  }
0x5e: {  	_ =	shalt  }
0x5f: {  	_ =	shalt  }
0x60: {  	_ =	shalt  }
0x61: {  	_ =	shalt  }
0x62: {  	_ =	shalt  }
0x63: {  	_ =	shalt  }
0x64: {  	_ =	shalt  }
0x65: {  	_ =	shalt  }
0x66: {  	_ =	shalt  }
0x67: {  	_ =	shalt  }
0x68: {  	_ =	shalt  }
0x69: {  	_ =	shalt  }
0x6a: {  	_ =	shalt  }
0x6b: {  	_ =	shalt  }
0x6c: {  	_ =	shalt  }
0x6d: {  	_ =	shalt  }
0x6e: {  	_ =	shalt  }
0x6f: {  	_ =	shalt  }
0x70: {  	_ =	shalt  }
0x71: {  	_ =	shalt  }
0x72: {  	_ =	shalt  }
0x73: {  	_ =	shalt  }
0x74: {  	_ =	shalt  }
0x75: {  	_ =	shalt  }
0x76: {  	_ =	shalt  }
0x77: {  	_ =	shalt  }
0x78: {  	_ =	shalt  }
0x79: {  	_ =	shalt  }
0x7a: {  	_ =	shalt  }
0x7b: {  	_ =	shalt  }
0x7c: {  	_ =	shalt  }
0x7d: {  	_ =	shalt  }
0x7e: {  	_ =	shalt  }
0x7f: {  	_ =	shalt  }
0x80: {  	_ =	shalt  }
0x81: {  	_ =	shalt  }
0x82: {  	_ =	shalt  }
0x83: {  	_ =	shalt  }
0x84: {  	_ =	shalt  }
0x85: {  	_ =	shalt  }
0x86: {  	_ =	shalt  }
0x87: {  	_ =	shalt  }
.Lfunc_end0:
.L_simem_size_0:
called_computation_lowered:
.L_overlay_start_0:
0x88: {  	s2 =	sld [smem:$0x3FD9]  }
0x89: {  	s3 =	sld [smem:$0x3FFE];
	_ =	sdelay $0x1  }
0x8a: {  	s1 =	srdreg.scid  }
0x8b: {  	s0 =	sand.u32 $0x1, s1  }
0x8c: {  	s17 =	sshll.u32 s0, $0xA;
	s2 =	sadd.s32 s3, s2  }
0x8d: {  	s2 =	sadd.s32 s2, s17  }
0x8e: {  	[smem:$0x3FBF] =	sst s2  }
0x8f: {  	_ = 	snop  }
0x90: {  	s2 =	sld [smem:$0x3FD0];
	(tm) =	ssettm $0x1  }
0x91: {  	s18 =	sld [smem:$0x3FFB];
	_ =	sdelay $0x3  }
0x92: {  	_ =	strace s18  }
0x93: {  	s3 =	sld [smem:$0x3FFC];
	_ =	sdelay $0x3  }
0x94: {  	_ =	strace s3  }
0x95: {  	s3 =	sld [smem:$0x3FFD];
	_ =	sdelay $0x3  }
0x96: {  	_ =	strace s3  }
0x97: {  	_ =	strace $0x8FFFFFFF  }
0x98: {  	s19 =	sld [smem:$0x3FDB];
	_ =	sdelay $0x1  }
0x99: {  	s4 =	simm.s32 $_scs_section_size  }
0x9a: {  	s5 =	simm.s32 $_size__tile_overlayer_lowered;
	s6 =	simm.s32 $_tile_overlayer_lowered  }
0x9b: {  	s22 =	simm.s32 $0x1BFF;
	s21 =	sshll.u32 s6, $0x1;
	s3 =	sadd.s32 s4, s19  }
0x9c: {  	s7 =	simm.s32 $0x0;
	s20 =	sshll.u32 s5, $0x1;
	s5 =	sadd.s32 s21, s3  }
0x9d: {  	[timem:s7], [sflag:s22] =	dma.local [hbm:s5], s20  }
0x9e: {  	_ =	swait.ge [sflag:s22], s20  }
0x9f: {  	s4 =	ssub.s32 $0x0, s20;
	[sflag:s22] =	ssyncset.done $0x0  }
0xa0: {  	[sflag:s22] =	ssyncadd.s32 s4;
	_ =	sdelay $0x1  }
0xa1: {  	s23 =	simm.s32 $0x1B8B  }
0xa2: {  	_ =	swait.ge [sflag:s23], $0x1  }
0xa3: {  	[sflag:s23] =	ssyncset.done $0x0  }
0xa4: {  	s25 =	simm.s32 $0x1B8E;
	s24 =	sld [smem:$0x3FFE];
	[sflag:s23] =	ssyncadd.s32 $0xFFFFFFFF  }
0xa5: {  	s26 =	simm.s32 $execute0_lowered;
	[smem:$0x3FD2] =	sst s25  }
0xa6: {  	s5 =	sshll.u32 s26, $0x1;
	_ =	strace $0x80000046;
	[dreg:$0x1] =	wrdreg $0xFFFFFFFF  }
0xa7: {  	s28 =	simm.s32 $_size_execute0_lowered;
	s3 =	sadd.s32 s3, s5;
	[dreg:$0x0] =	wrdreg $0x0  }
0xa8: {  	s5 =	sshll.u32 s28, $0x1;
	[dreg:$0x2] =	wrdreg s3  }
0xa9: {  	[dreg:$0x3] =	wrdreg s5  }
0xaa: {  	[dreg:$0x4] =	wrdreg $0xC0  }
0xab: {  	_ =	task [dreg:s7], $0x5FFFF  }
0xac: {  	[dreg:$0x1] =	wrdreg $0xFFFFFFFF  }
0xad: {  	[dreg:$0x0] =	wrdreg $0x60  }
0xae: {  	[dreg:$0x2] =	wrdreg s24  }
0xaf: {  	[dreg:$0x3] =	wrdreg s2  }
0xb0: {  	[dreg:$0x4] =	wrdreg $0x9  }
0xb1: {  	_ =	task.clear_ibuf [dreg:s7], $0x5FFFF;
	_ =	strace $0x90000046  }
0xb2: {  	s29 =	simm.s32 $0x9;
	_ =	strace $0x80000048  }
0xb3: {  	_ =	swait.ge [sflag:s29], $0x1  }
0xb4: {  	[sflag:s29] =	ssyncadd.s32 $0xFFFFFFFF  }
0xb5: {  	_ =	strace $0x90000048  }
0xb6: {  	_ =	sfence  }
0xb7: {  	s30 =	sld [smem:$0x0];
	_ =	sdelay $0x2  }
0xb8: {  	s31 =	sshll.u32 s1, $0xD;
	s1 =	sshrl.u32 s1, $0x2  }
0xb9: {  	s3 =	sand.u32 $0x4000, s31;
	s1 =	sadd.s32 s1, s30  }
0xba: {  	s0 =	sor.u32 s3, s0;
	s1 =	sshll.u32 s1, $0x11  }
0xbb: {  	s0 =	sor.u32 s1, s0  }
0xbc: {  	s0 =	sadd.s32 $0x8F2B, s0  }
0xbd: {  	[sflag:s0] =	ssyncadd.remote.s32 $0x1  }
0xbe: {  	_ =	sfence.sel $0xFFFF  }
0xbf: {  	[dreg:$0x0] =	wrdreg $0xFFFFFFFF;
	(pc) =	sbr.abs _section_cstart, $3  }
0xc0: {  	[dreg:$0x1] =	wrdreg $0xFFFFFFFF  }
0xc1: {  	_ =	task.clear_ibuf [dreg:s7], $0x2FFFF;
	_ =	strace $0x9FFFFFFF  }
0xc2: {  	(tm) =	ssettm $0x7FFFFFFF  }
0xc3: {  	_ =	shalt  }
tec
execute0_lowered:
.L_overlay_start_1:
0x0: {  	(tag) =	ssettag $0x1  }
0x1: {  	s3 =	rddreg [dreg:$0x0]  }
0x2: {  	s1 =	srdreg.scid;
	s0 =	stileid.u32  }
0x3: {  	s5 =	rddreg [dreg:$0x1];
	s2 =	simm.s32 $0x0;
	s9 =	simm.s32 $0x0  }
0x4: {  	s4 =	sand.u32 $0x1, s1;
	s6 =	sshll.u32 s0, $0x1;
	s1 =	rddreg [dreg:$0x2]  }
0x5: {  	[smem:$0x7FF] =	sst s2;
	s6 =	sor.u32 s4, s6;
	s4 =	ssub.s32 $0x2, s4  }
0x6: {  	_ =	strace $0x80000047;
	s7 =	sshll.u32 s6, $0xA;
	s31 =	sshrl.u32 s4, $0x1  }
0x7: {  	s6 =	sshll.u32 s6, $0xD;
	s7 =	sadd.s32 s7, s3;
	s8 =	ssub.s32 s4, s31  }
0x8: {  	s5 =	sadd.s32 s5, s6;
	s3 =	sadd.s32 $0x1800, s7;
	s4 =	sadd.s32 $0x9800, s7  }
0x9: {  	v0 =	vimm.f32 $1.000000000e+00;
	v1 =	vimm.f32 $0.0e+00;
	s6 =	smax.u32 s8, $0x1;
	s7 =	simm.s32 $0x1;
	s8 =	simm.s32 $0x4000  }
.LBB2_1:
0xa: {  	[tilespmem:s2], [sflag:$0x1] =	stream.linear.gather [hbm4b:s3+s2], $0x2000, $0x38;
	[tilespmem:$0x14000] =	vst v63  }
0xb: {  	_ =	swait.ge [sflag:s7], $0x2000  }
0xc: {  	[sflag:s7] =	ssyncset.done $0x0  }
0xd: {  	s11 =	simm.s32 $0x2000;
	[sflag:s7] =	ssyncadd.s32 $0xFFFFE000  }
0xe: {  	[tilespmem:s11], [sflag:$0x1] =	stream.linear.gather [hbm4b:s4+s2], $0x2000, $0x38;
	[tilespmem:$0x14000] =	vst v63  }
0xf: {  	_ =	swait.ge [sflag:s7], $0x2000  }
0x10: {  	[sflag:s7] =	ssyncset.done $0x0  }
0x11: {  	[sflag:s7] =	ssyncadd.s32 $0xFFFFE000  }
0x12: {  	s10 =	simm.s32 $0x4040;
	v2 =	vld [tilespmem:s11+$0x0]  }
0x13: {  	s13 =	simm.s32 $0x80;
	s12 =	simm.s32 $0x0;
	s14 =	simm.s32 $0x0;
	v3 =	vld [tilespmem:s2+$0x0];
	[tilespmem:s10+$0x20] =	vst v1  }
.LBB2_2:
0x14: {  	p0 =	sne.s32 s13, $0xFF80;
	[tilespmem:s10+$0x10] =	vst v1  }
0x15: {  	[tilespmem:s10+$0x0] =	vst v1  }
0x16: {  	[tilespmem:s10+$0xFFFFFFF0] =	vst v1  }
0x17: {  	[tilespmem:s10+$0xFFFFFFE0] =	vst v1;
	v4 =	vadd.s32 s12, v2  }
0x18: {  	[tilespmem:s10+$0xFFFFFFD0] =	vst v1;
	v3 =	vadd.s32 s12, v3;
	s12 =	smov.u32 s13  }
0x19: {  	v4 =	vadd.s32 $0x40, v4;
	[tilespmem:s10+$0xFFFFFFC0] =	vst v1;
	_ =	sdelay $0x1  }
0x1a: {  	vm0 =	veq.s32 v2, $0x0  }
.Ltmp0:
0x1b: {  	v2 =	vsel vm0, $0x0, v0;
	[tilespmem:s10+$0x30] =	vst v1;
	(pc) =	sbr.rel @p0 .LBB2_2-.Ltmp0, $4  }
0x1c: {  	[tilespmem:v3+s8+$0x0] =	vst.idx.add.f32.msk $0xffff, v2  }
0x1d: {  	s11 =	sadd.s32 $0x10, s11;
	[tilespmem:v4+s8+$0x0] =	vst.idx.add.f32.msk $0xffff, v2  }
0x1e: {  	s14 =	sadd.s32 $0x10, s14;
	s10 =	sadd.s32 $0x80, s10;
	v2 =	vld [tilespmem:s11+$0x0]  }
0x1f: {  	s13 =	sadd.s32 $0x80, s13;
	v3 =	vld [tilespmem:s14+$0x0];
	[tilespmem:s10+$0x20] =	vst v1  }
0x20: {  	_ =	sdelay $0x1  }
0x21: {  	[tilespmem:s10+$0x10] =	vst v1  }
0x22: {  	[tilespmem:s10+$0x0] =	vst v1  }
0x23: {  	[tilespmem:s10+$0xFFFFFFF0] =	vst v1;
	v4 =	vadd.s32 s12, v2;
	v3 =	vadd.s32 s12, v3  }
0x24: {  	[tilespmem:s10+$0xFFFFFFE0] =	vst v1;
	v4 =	vadd.s32 $0x40, v4  }
0x25: {  	[tilespmem:s10+$0xFFFFFFD0] =	vst v1  }
0x26: {  	[tilespmem:s10+$0xFFFFFFC0] =	vst v1;
	vm0 =	veq.s32 v2, $0x0  }
0x27: {  	[tilespmem:s10+$0x30] =	vst v1;
	s9 =	sadd.s32 $0x1, s9;
	v2 =	vsel vm0, $0x0, v0  }
0x28: {  	p0 =	sne.s32 s9, s6;
	[tilespmem:v3+s8+$0x0] =	vst.idx.add.f32.msk $0xffff, v2  }
.Ltmp1:
0x29: {  	[tilespmem:v4+s8+$0x0] =	vst.idx.add.f32.msk $0xffff, v2;
	(pc) =	sbr.rel @p0 .LBB2_1-.Ltmp1, $4  }
0x2a: {  	[hbm4b:s5+s2] =	stream.linear.scatter [tilespmem:s8], [sflag:$0x1], $0x10000, $0x38;
	[tilespmem:$0x14000] =	vst v63  }
0x2b: {  	_ =	swait.ge [sflag:s7], $0x10000  }
0x2c: {  	[sflag:s7] =	ssyncset.done $0x0  }
0x2d: {  	[sflag:s7] =	ssyncadd.s32 $0xFFFF0000  }
0x2e: {  	_ =	sfence.sel $0x180000  }
0x2f: {  	[bflag:$0x0] =	sbarrier.arrive $0xFFFF  }
0x30: {  	p0 =	sne.s32 s0, $0x0;
	_ =	strace $0x90000047  }
0x31: {  	s0 =	sadd.s32 @!p0 $0x100000, s1;
	[bflag:$0x2] =	sbarrier.arrive $0xFFFF  }
0x32: {  	[sflag:s0] =	ssyncadd.tile.s32 @!p0 $0x1;
	_ =	shalt  }
.Lfunc_end2:
_tile_overlayer_lowered:
.L_overlay_start_2:
0x33: {  	(tag) =	ssettag $0x2  }
0x34: {  	s0 =	rddreg [dreg:$0x0];
	s2 =	stileid.u32  }
0x35: {  	s1 =	rddreg [dreg:$0x1];
	p0 =	sne.s32 s2, $0x0  }
0x36: {  	s3 =	rddreg [dreg:$0x2];
	[bflag:$0x3] =	sbarrier.arrive $0xFFFF;
	s2 =	simm.s32 @!p0 $0x1C01  }
0x37: {  	[timem:s3], [sflag:s2] =	dma.local @!p0 [hbm:s0], s1  }
0x38: {  	s0 =	simm.s32 @!p0 $0x1  }
0x39: {  	_ =	swait.ge @!p0 [sflag:s0], s1  }
0x3a: {  	s1 =	ssub.s32 @!p0 $0x0, s1;
	[sflag:s0] =	ssyncset.done @!p0 $0x0  }
0x3b: {  	[sflag:s0] =	ssyncadd.s32 @!p0 s1  }
0x3c: {  	[bflag:$0x3] =	sbarrier.arrive $0xFFFF  }
0x3d: {  	_ =	shalt  }

</sc_bundles>
